<compile_context>
chip_gen: v7x
topology: tpu7x:2x2x1
jax: 0.10.2.dev20260603
libtpu: 0.0.44.dev20260713+nightly
codegen_flags: <defaults>
</compile_context>

<pallas_src>
import jax
import jax.numpy as jnp
from jax import lax
from jax.experimental import pallas as pl
from jax.experimental.pallas import tpu as pltpu
from jax.experimental.pallas import tpu_sc as plsc

PATTERN_SIZE = 8192
GATE_OUT = 1024
MAX_NUM = 64
BATCH = 128
IN_DIM = (PATTERN_SIZE + MAX_NUM) * 2

N_BLK = 128
N_STEPS = GATE_OUT // N_BLK


_NC = 2
_NS = 16
_NW = _NC * _NS
_RPW = BATCH // _NW
_CHUNKS = PATTERN_SIZE // MAX_NUM
_NEG = float(jnp.finfo(jnp.float32).min)


def _sort16(x):
    return plsc.sort_key_val(x, x)[0]


def _merge16x2(a, b):
    br = jnp.flip(b, 0)
    lo = jnp.minimum(a, br)
    hi = jnp.maximum(a, br)
    return _sort16(lo), _sort16(hi)


def _bsort32(u0, u1):
    p = jnp.minimum(u0, u1)
    q = jnp.maximum(u0, u1)
    return _sort16(p), _sort16(q)


def _sort64(c0, c1, c2, c3):
    s0, s1, s2, s3 = _sort16(c0), _sort16(c1), _sort16(c2), _sort16(c3)
    l0, l1 = _merge16x2(s0, s1)
    l2, l3 = _merge16x2(s2, s3)
    r3 = jnp.flip(l3, 0)
    r2 = jnp.flip(l2, 0)
    lo0, lo1 = jnp.minimum(l0, r3), jnp.minimum(l1, r2)
    hi0, hi1 = jnp.maximum(l0, r3), jnp.maximum(l1, r2)
    b0, b1 = _bsort32(lo0, lo1)
    b2, b3 = _bsort32(hi0, hi1)
    return b0, b1, b2, b3


def _top64_update(A, B):
    A0, A1, A2, A3 = A
    B0, B1, B2, B3 = B
    H0 = jnp.maximum(A0, jnp.flip(B3, 0))
    H1 = jnp.maximum(A1, jnp.flip(B2, 0))
    H2 = jnp.maximum(A2, jnp.flip(B1, 0))
    H3 = jnp.maximum(A3, jnp.flip(B0, 0))
    n0, n2 = jnp.minimum(H0, H2), jnp.maximum(H0, H2)
    n1, n3 = jnp.minimum(H1, H3), jnp.maximum(H1, H3)
    m0, m1 = jnp.minimum(n0, n1), jnp.maximum(n0, n1)
    m2, m3 = jnp.minimum(n2, n3), jnp.maximum(n2, n3)
    return _sort16(m0), _sort16(m1), _sort16(m2), _sort16(m3)


def _topk_body(raw_hbm, out_hbm, row_v, orow_v):
    c = lax.axis_index("c")
    s = lax.axis_index("s")
    wid = s * _NC + c
    base = wid * _RPW
    neg = jnp.full((16,), _NEG, jnp.float32)

    def row_loop(r, _):
        pltpu.sync_copy(raw_hbm.at[base + r], row_v)

        def chunk(i, A):
            off = i * MAX_NUM
            c0 = row_v[pl.ds(off, 16)]
            c1 = row_v[pl.ds(off + 16, 16)]
            c2 = row_v[pl.ds(off + 32, 16)]
            c3 = row_v[pl.ds(off + 48, 16)]
            return _top64_update(A, _sort64(c0, c1, c2, c3))

        A = lax.fori_loop(0, _CHUNKS, chunk, (neg, neg, neg, neg))
        orow_v[0:16] = jnp.flip(A[3], 0)
        orow_v[16:32] = jnp.flip(A[2], 0)
        orow_v[32:48] = jnp.flip(A[1], 0)
        orow_v[48:64] = jnp.flip(A[0], 0)
        pltpu.sync_copy(orow_v, out_hbm.at[base + r])
        return 0

    lax.fori_loop(0, _RPW, row_loop, 0)


def _topk_sc(raw):
    mesh = plsc.VectorSubcoreMesh(core_axis_name="c", subcore_axis_name="s")
    return pl.kernel(
        _topk_body,
        mesh=mesh,
        out_type=jax.ShapeDtypeStruct((BATCH, MAX_NUM), jnp.float32),
        scratch_types=[
            pltpu.VMEM((PATTERN_SIZE,), jnp.float32),
            pltpu.VMEM((MAX_NUM,), jnp.float32),
        ],
        compiler_params=pltpu.CompilerParams(
            needs_layout_passes=False,
        ),
    )(raw)


def _gate_body(th_ref, raw_ref, w_ref, b_ref, out_ref, wsmall_ref, x_ref):
    i = pl.program_id(0)

    @pl.when(i == 0)
    def _build_x():
        t = th_ref[0]
        raw = raw_ref[...]
        x_ref[:, 0:PATTERN_SIZE] = raw
        x_ref[:, PATTERN_SIZE:PATTERN_SIZE + MAX_NUM] = jnp.zeros(
            (BATCH, MAX_NUM), jnp.float32)
        x_ref[:, PATTERN_SIZE + MAX_NUM:2 * PATTERN_SIZE + MAX_NUM] = (
            raw * (raw > t).astype(raw.dtype))
        x_ref[:, 2 * PATTERN_SIZE + MAX_NUM:IN_DIM] = jnp.zeros(
            (BATCH, MAX_NUM), jnp.float32)

    w = w_ref[...]
    wsmall_ref[:, 0:MAX_NUM] = w[:, PATTERN_SIZE:PATTERN_SIZE + MAX_NUM]
    wsmall_ref[:, MAX_NUM:2 * MAX_NUM] = w[:, 2 * PATTERN_SIZE + MAX_NUM:IN_DIM]
    out_ref[...] = jax.lax.dot_general(
        x_ref[...], w,
        dimension_numbers=(((1,), (1,)), ((), ())),
        preferred_element_type=jnp.float32,
    ) + b_ref[0]


def _gate_matmul_raw(raw, threshold, W, b):
    b2 = b.reshape(N_STEPS, 1, N_BLK)
    th = threshold.reshape(1)
    return pl.pallas_call(
        _gate_body,
        grid=(N_STEPS,),
        in_specs=[
            pl.BlockSpec(memory_space=pltpu.SMEM),
            pl.BlockSpec((BATCH, PATTERN_SIZE), lambda i: (0, 0)),
            pl.BlockSpec((N_BLK, IN_DIM), lambda i: (i, 0)),
            pl.BlockSpec((1, 1, N_BLK), lambda i: (i, 0, 0)),
        ],
        out_specs=[
            pl.BlockSpec((BATCH, N_BLK), lambda i: (0, i)),
            pl.BlockSpec((N_BLK, 2 * MAX_NUM), lambda i: (i, 0)),
        ],
        out_shape=[
            jax.ShapeDtypeStruct((BATCH, GATE_OUT), jnp.float32),
            jax.ShapeDtypeStruct((GATE_OUT, 2 * MAX_NUM), jnp.float32),
        ],
        scratch_shapes=[pltpu.VMEM((BATCH, IN_DIM), jnp.float32)],
        compiler_params=pltpu.CompilerParams(
            dimension_semantics=("arbitrary",),
        ),
    )(th, raw, W, b2)


def _fixup_body(th_ref, maxv_ref, wsmall_ref, out0_ref, out_ref):
    t = th_ref[0]
    maxv = maxv_ref[...]
    mrelu = maxv * (maxv > t).astype(maxv.dtype)
    xs = jnp.concatenate([maxv, mrelu], axis=1)
    out_ref[...] = out0_ref[...] + jax.lax.dot_general(
        xs, wsmall_ref[...],
        dimension_numbers=(((1,), (1,)), ((), ())),
        preferred_element_type=jnp.float32,
    )


def _gate_fixup(maxv, threshold, wsmall, out0):
    th = threshold.reshape(1)
    return pl.pallas_call(
        _fixup_body,
        in_specs=[
            pl.BlockSpec(memory_space=pltpu.SMEM),
            pl.BlockSpec((BATCH, MAX_NUM), lambda: (0, 0)),
            pl.BlockSpec((GATE_OUT, 2 * MAX_NUM), lambda: (0, 0)),
            pl.BlockSpec((BATCH, GATE_OUT), lambda: (0, 0)),
        ],
        out_specs=pl.BlockSpec((BATCH, GATE_OUT), lambda: (0, 0)),
        out_shape=jax.ShapeDtypeStruct((BATCH, GATE_OUT), jnp.float32),
    )(th, maxv, wsmall, out0)


def kernel(raw_pat_resp, threshold, W, b):
    maxv = _topk_sc(raw_pat_resp)
    out0, wsmall = _gate_matmul_raw(raw_pat_resp, threshold, W, b)
    return _gate_fixup(maxv, threshold, wsmall, out0)

# --- scband reference (transcript-rebuilt; emitter-appended) ---
"""Pipeline reference for scband-concat-re-lumax-46488726012389 (READ-ONLY COPY).

The authoritative reference and input builder live on the scoring server;
editing this copy changes nothing except your own understanding.
"""

import jax, jax.numpy as jnp
import numpy as np

PATTERN_SIZE = 8192
GATE_OUT = 1024
MAX_NUM = 64
BATCH = 128

def setup_inputs(seed: int = 0) -> dict:
    key = jax.random.key(seed)
    k1, k2, k3 = jax.random.split(key, 3)
    raw_pat_resp = jax.random.normal(k1, (BATCH, PATTERN_SIZE), dtype=jnp.float32)
    in_dim = (PATTERN_SIZE + MAX_NUM) * 2
    bound = 1.0 / np.sqrt(in_dim)
    W = jax.random.uniform(k2, (GATE_OUT, in_dim), dtype=jnp.float32, minval=-bound, maxval=bound)
    b = jax.random.uniform(k3, (GATE_OUT,), dtype=jnp.float32, minval=-bound, maxval=bound)
    threshold = jnp.zeros((1,), dtype=jnp.float32)
    return {"raw_pat_resp": raw_pat_resp, "threshold": threshold, "W": W, "b": b}

def reference(raw_pat_resp, threshold, W, b):
    max_vals, _ = jax.lax.top_k(raw_pat_resp, MAX_NUM)
    new_pr = jnp.concatenate([raw_pat_resp, max_vals], axis=1)
    relu_th_pr = jnp.maximum(new_pr - threshold, 0.0)
    relu_th_pr = relu_th_pr + threshold * (relu_th_pr > 0).astype(relu_th_pr.dtype)
    new_pr2 = jnp.concatenate([new_pr, relu_th_pr], axis=1)
    return new_pr2 @ W.T + b

if __name__ == "__main__":
    import jax
    _d = setup_inputs()
    print(jax.jit(kernel)(*tuple(_d.values())))

</pallas_src>

<mosaic_0001>
#map = affine_map<(d0, d1) -> (0, 0)>
module attributes {stable_mosaic.version = 14 : i64} {
  func.func @_topk_body(%arg0: i32, %arg1: i32, %arg2: memref<128x8192xf32, #tpu.memory_space<hbm>>, %arg3: memref<128x64xf32, #tpu.memory_space<hbm>>, %arg4: memref<8192xf32, #tpu.memory_space<vmem>>, %arg5: memref<64xf32, #tpu.memory_space<vmem>>) attributes {dimension_semantics = [#tpu.dimension_semantics<core_parallel>, #tpu.dimension_semantics<subcore_parallel>], iteration_bounds = array<i64: 2, 16>, scalar_prefetch = 0 : i64, scratch_operands = 2 : i64, tpu.core_type = #tpu.core_type<sc_vector_subcore>, window_params = [{transform_indices = #map}, {transform_indices = #map}]} {
    %mul3A = arith.constant 2 : i32
    %mul3A_0 = arith.muli %arg1, %mul3A : i32
    %add3A = arith.addi %mul3A_0, %arg0 : i32
    %mul3A_1 = arith.constant 4 : i32
    %mul3A_2 = arith.muli %add3A, %mul3A_1 : i32
    %broadcast_in_dim3A = arith.constant -3.40282347E+38 : f32
    %broadcast_in_dim3A_3 = vector.broadcast %broadcast_in_dim3A : f32 to vector<16xf32>
    %scan3A = arith.constant 0 : i32
    %scan3A_4 = arith.constant 0 : i32
    %scan3A_5 = arith.constant 4 : i32
    %scan3A_6 = arith.addi %scan3A_4, %scan3A_5 : i32
    %scan3A_7 = arith.constant 1 : i32
    %scan3A_8 = scf.for %scan3A_10 = %scan3A_4 to %scan3A_6 step %scan3A_7 iter_args(%scan3A_11 = %scan3A) -> (i32)  : i32 {
      %add3A_12 = arith.addi %mul3A_2, %scan3A_10 : i32
      "tpu.region"() ({
        %run_scoped3A = tpu.sem_alloc : memref<!tpu.dma_semaphore, #tpu.memory_space<semaphore_mem>>
        %dma_start3A = arith.constant 0 : i32
        %dma_start3A_47 = tpu.memref_slice %arg2[%add3A_12, %dma_start3A] : memref<128x8192xf32, #tpu.memory_space<hbm>> -> memref<1x8192xf32, #tpu.memory_space<hbm>>
        %dma_start3A_48 = tpu.memref_squeeze %dma_start3A_47 : memref<1x8192xf32, #tpu.memory_space<hbm>> -> memref<8192xf32, #tpu.memory_space<hbm>>
        %dma_start3A_49 = arith.constant 0 : i32
        %dma_start3A_50 = tpu.memref_slice %arg2[%add3A_12, %dma_start3A_49] : memref<128x8192xf32, #tpu.memory_space<hbm>> -> memref<1x8192xf32, #tpu.memory_space<hbm>>
        %dma_start3A_51 = tpu.memref_squeeze %dma_start3A_50 : memref<1x8192xf32, #tpu.memory_space<hbm>> -> memref<8192xf32, #tpu.memory_space<hbm>>
        tpu.enqueue_dma source(%dma_start3A_51 : memref<8192xf32, #tpu.memory_space<hbm>>) target(%arg4 : memref<8192xf32, #tpu.memory_space<vmem>>) target_semaphore(%run_scoped3A : memref<!tpu.dma_semaphore, #tpu.memory_space<semaphore_mem>>)
        %dma_wait3A = arith.constant 0 : i32
        %dma_wait3A_52 = tpu.memref_slice %arg2[%add3A_12, %dma_wait3A] : memref<128x8192xf32, #tpu.memory_space<hbm>> -> memref<1x8192xf32, #tpu.memory_space<hbm>>
        %dma_wait3A_53 = tpu.memref_squeeze %dma_wait3A_52 : memref<1x8192xf32, #tpu.memory_space<hbm>> -> memref<8192xf32, #tpu.memory_space<hbm>>
        %dma_wait3A_54 = arith.constant 0 : i32
        %dma_wait3A_55 = tpu.memref_slice %arg2[%add3A_12, %dma_wait3A_54] : memref<128x8192xf32, #tpu.memory_space<hbm>> -> memref<1x8192xf32, #tpu.memory_space<hbm>>
        %dma_wait3A_56 = tpu.memref_squeeze %dma_wait3A_55 : memref<1x8192xf32, #tpu.memory_space<hbm>> -> memref<8192xf32, #tpu.memory_space<hbm>>
        tpu.wait_dma2 semaphore(%run_scoped3A : memref<!tpu.dma_semaphore, #tpu.memory_space<semaphore_mem>>) src(%dma_wait3A_56 : memref<8192xf32, #tpu.memory_space<hbm>>) dst(%arg4 : memref<8192xf32, #tpu.memory_space<vmem>>)
        tpu.yield
      }) : () -> ()
      %scan3A_13 = arith.constant 0 : i32
      %scan3A_14 = arith.constant 128 : i32
      %scan3A_15 = arith.addi %scan3A_13, %scan3A_14 : i32
      %scan3A_16 = arith.constant 1 : i32
      %scan3A_17:4 = scf.for %scan3A_47 = %scan3A_13 to %scan3A_15 step %scan3A_16 iter_args(%scan3A_48 = %broadcast_in_dim3A_3, %scan3A_49 = %broadcast_in_dim3A_3, %scan3A_50 = %broadcast_in_dim3A_3, %scan3A_51 = %broadcast_in_dim3A_3) -> (vector<16xf32>, vector<16xf32>, vector<16xf32>, vector<16xf32>)  : i32 {
        %mul3A_52 = arith.constant 64 : i32
        %mul3A_53 = arith.muli %scan3A_47, %mul3A_52 : i32
        %get3A = arith.index_cast %mul3A_53 : i32 to index
        %get3A_54 = tpu.vector_load %arg4[%get3A] {strides = array<i32>} : memref<8192xf32, #tpu.memory_space<vmem>>, vector<16xf32>,
        %add3A_55 = arith.constant 16 : i32
        %add3A_56 = arith.addi %mul3A_53, %add3A_55 : i32
        %get3A_57 = arith.index_cast %add3A_56 : i32 to index
        %get3A_58 = tpu.vector_load %arg4[%get3A_57] {strides = array<i32>} : memref<8192xf32, #tpu.memory_space<vmem>>, vector<16xf32>,
        %add3A_59 = arith.constant 32 : i32
        %add3A_60 = arith.addi %mul3A_53, %add3A_59 : i32
        %get3A_61 = arith.index_cast %add3A_60 : i32 to index
        %get3A_62 = tpu.vector_load %arg4[%get3A_61] {strides = array<i32>} : memref<8192xf32, #tpu.memory_space<vmem>>, vector<16xf32>,
        %add3A_63 = arith.constant 48 : i32
        %add3A_64 = arith.addi %mul3A_53, %add3A_63 : i32
        %get3A_65 = arith.index_cast %add3A_64 : i32 to index
        %get3A_66 = tpu.vector_load %arg4[%get3A_65] {strides = array<i32>} : memref<8192xf32, #tpu.memory_space<vmem>>, vector<16xf32>,
        %masked_sort3A = arith.constant dense<true> : vector<16xi1>
        %masked_sort3A_67, %masked_sort3A_68, %masked_sort3A_69 = tpu.sort %get3A_54, %get3A_54 masked %masked_sort3A : (vector<16xf32>, vector<16xf32>, vector<16xi1>) -> (vector<16xi1>, vector<16xf32>, vector<16xf32>)
        %masked_sort3A_70 = arith.constant dense<true> : vector<16xi1>
        %masked_sort3A_71, %masked_sort3A_72, %masked_sort3A_73 = tpu.sort %get3A_58, %get3A_58 masked %masked_sort3A_70 : (vector<16xf32>, vector<16xf32>, vector<16xi1>) -> (vector<16xi1>, vector<16xf32>, vector<16xf32>)
        %masked_sort3A_74 = arith.constant dense<true> : vector<16xi1>
        %masked_sort3A_75, %masked_sort3A_76, %masked_sort3A_77 = tpu.sort %get3A_62, %get3A_62 masked %masked_sort3A_74 : (vector<16xf32>, vector<16xf32>, vector<16xi1>) -> (vector<16xi1>, vector<16xf32>, vector<16xf32>)
        %masked_sort3A_78 = arith.constant dense<true> : vector<16xi1>
        %masked_sort3A_79, %masked_sort3A_80, %masked_sort3A_81 = tpu.sort %get3A_66, %get3A_66 masked %masked_sort3A_78 : (vector<16xf32>, vector<16xf32>, vector<16xi1>) -> (vector<16xi1>, vector<16xf32>, vector<16xf32>)
        %rev3A_82 = arith.constant 15 : i32
        %rev3A_83 = vector.broadcast %rev3A_82 : i32 to vector<16xi32>
        %rev3A_84 = tpu.iota {dimensions = array<i32: 0>} : vector<16xi32>
        %rev3A_85 = arith.subi %rev3A_83, %rev3A_84 : vector<16xi32>
        %rev3A_86 = tpu.dynamic_gather %masked_sort3A_72[%rev3A_85] in [0] : vector<16xf32>, vector<16xi32> -> vector<16xf32>
        %min3A = arith.minimumf %masked_sort3A_68, %rev3A_86 : vector<16xf32>
        %max3A = arith.maximumf %masked_sort3A_68, %rev3A_86 : vector<16xf32>
        %masked_sort3A_87 = arith.constant dense<true> : vector<16xi1>
        %masked_sort3A_88, %masked_sort3A_89, %masked_sort3A_90 = tpu.sort %min3A, %min3A masked %masked_sort3A_87 : (vector<16xf32>, vector<16xf32>, vector<16xi1>) -> (vector<16xi1>, vector<16xf32>, vector<16xf32>)
        %masked_sort3A_91 = arith.constant dense<true> : vector<16xi1>
        %masked_sort3A_92, %masked_sort3A_93, %masked_sort3A_94 = tpu.sort %max3A, %max3A masked %masked_sort3A_91 : (vector<16xf32>, vector<16xf32>, vector<16xi1>) -> (vector<16xi1>, vector<16xf32>, vector<16xf32>)
        %rev3A_95 = arith.constant 15 : i32
        %rev3A_96 = vector.broadcast %rev3A_95 : i32 to vector<16xi32>
        %rev3A_97 = tpu.iota {dimensions = array<i32: 0>} : vector<16xi32>
        %rev3A_98 = arith.subi %rev3A_96, %rev3A_97 : vector<16xi32>
        %rev3A_99 = tpu.dynamic_gather %masked_sort3A_80[%rev3A_98] in [0] : vector<16xf32>, vector<16xi32> -> vector<16xf32>
        %min3A_100 = arith.minimumf %masked_sort3A_76, %rev3A_99 : vector<16xf32>
        %max3A_101 = arith.maximumf %masked_sort3A_76, %rev3A_99 : vector<16xf32>
        %masked_sort3A_102 = arith.constant dense<true> : vector<16xi1>
        %masked_sort3A_103, %masked_sort3A_104, %masked_sort3A_105 = tpu.sort %min3A_100, %min3A_100 masked %masked_sort3A_102 : (vector<16xf32>, vector<16xf32>, vector<16xi1>) -> (vector<16xi1>, vector<16xf32>, vector<16xf32>)
        %masked_sort3A_106 = arith.constant dense<true> : vector<16xi1>
        %masked_sort3A_107, %masked_sort3A_108, %masked_sort3A_109 = tpu.sort %max3A_101, %max3A_101 masked %masked_sort3A_106 : (vector<16xf32>, vector<16xf32>, vector<16xi1>) -> (vector<16xi1>, vector<16xf32>, vector<16xf32>)
        %rev3A_110 = arith.constant 15 : i32
        %rev3A_111 = vector.broadcast %rev3A_110 : i32 to vector<16xi32>
        %rev3A_112 = tpu.iota {dimensions = array<i32: 0>} : vector<16xi32>
        %rev3A_113 = arith.subi %rev3A_111, %rev3A_112 : vector<16xi32>
        %rev3A_114 = tpu.dynamic_gather %masked_sort3A_108[%rev3A_113] in [0] : vector<16xf32>, vector<16xi32> -> vector<16xf32>
        %rev3A_115 = arith.constant 15 : i32
        %rev3A_116 = vector.broadcast %rev3A_115 : i32 to vector<16xi32>
        %rev3A_117 = tpu.iota {dimensions = array<i32: 0>} : vector<16xi32>
        %rev3A_118 = arith.subi %rev3A_116, %rev3A_117 : vector<16xi32>
        %rev3A_119 = tpu.dynamic_gather %masked_sort3A_104[%rev3A_118] in [0] : vector<16xf32>, vector<16xi32> -> vector<16xf32>
        %min3A_120 = arith.minimumf %masked_sort3A_89, %rev3A_114 : vector<16xf32>
        %min3A_121 = arith.minimumf %masked_sort3A_93, %rev3A_119 : vector<16xf32>
        %max3A_122 = arith.maximumf %masked_sort3A_89, %rev3A_114 : vector<16xf32>
        %max3A_123 = arith.maximumf %masked_sort3A_93, %rev3A_119 : vector<16xf32>
        %min3A_124 = arith.minimumf %min3A_120, %min3A_121 : vector<16xf32>
        %max3A_125 = arith.maximumf %min3A_120, %min3A_121 : vector<16xf32>
        %masked_sort3A_126 = arith.constant dense<true> : vector<16xi1>
        %masked_sort3A_127, %masked_sort3A_128, %masked_sort3A_129 = tpu.sort %min3A_124, %min3A_124 masked %masked_sort3A_126 : (vector<16xf32>, vector<16xf32>, vector<16xi1>) -> (vector<16xi1>, vector<16xf32>, vector<16xf32>)
        %masked_sort3A_130 = arith.constant dense<true> : vector<16xi1>
        %masked_sort3A_131, %masked_sort3A_132, %masked_sort3A_133 = tpu.sort %max3A_125, %max3A_125 masked %masked_sort3A_130 : (vector<16xf32>, vector<16xf32>, vector<16xi1>) -> (vector<16xi1>, vector<16xf32>, vector<16xf32>)
        %min3A_134 = arith.minimumf %max3A_122, %max3A_123 : vector<16xf32>
        %max3A_135 = arith.maximumf %max3A_122, %max3A_123 : vector<16xf32>
        %masked_sort3A_136 = arith.constant dense<true> : vector<16xi1>
        %masked_sort3A_137, %masked_sort3A_138, %masked_sort3A_139 = tpu.sort %min3A_134, %min3A_134 masked %masked_sort3A_136 : (vector<16xf32>, vector<16xf32>, vector<16xi1>) -> (vector<16xi1>, vector<16xf32>, vector<16xf32>)
        %masked_sort3A_140 = arith.constant dense<true> : vector<16xi1>
        %masked_sort3A_141, %masked_sort3A_142, %masked_sort3A_143 = tpu.sort %max3A_135, %max3A_135 masked %masked_sort3A_140 : (vector<16xf32>, vector<16xf32>, vector<16xi1>) -> (vector<16xi1>, vector<16xf32>, vector<16xf32>)
        %rev3A_144 = arith.constant 15 : i32
        %rev3A_145 = vector.broadcast %rev3A_144 : i32 to vector<16xi32>
        %rev3A_146 = tpu.iota {dimensions = array<i32: 0>} : vector<16xi32>
        %rev3A_147 = arith.subi %rev3A_145, %rev3A_146 : vector<16xi32>
        %rev3A_148 = tpu.dynamic_gather %masked_sort3A_142[%rev3A_147] in [0] : vector<16xf32>, vector<16xi32> -> vector<16xf32>
        %max3A_149 = arith.maximumf %scan3A_48, %rev3A_148 : vector<16xf32>
        %rev3A_150 = arith.constant 15 : i32
        %rev3A_151 = vector.broadcast %rev3A_150 : i32 to vector<16xi32>
        %rev3A_152 = tpu.iota {dimensions = array<i32: 0>} : vector<16xi32>
        %rev3A_153 = arith.subi %rev3A_151, %rev3A_152 : vector<16xi32>
        %rev3A_154 = tpu.dynamic_gather %masked_sort3A_138[%rev3A_153] in [0] : vector<16xf32>, vector<16xi32> -> vector<16xf32>
        %max3A_155 = arith.maximumf %scan3A_49, %rev3A_154 : vector<16xf32>
        %rev3A_156 = arith.constant 15 : i32
        %rev3A_157 = vector.broadcast %rev3A_156 : i32 to vector<16xi32>
        %rev3A_158 = tpu.iota {dimensions = array<i32: 0>} : vector<16xi32>
        %rev3A_159 = arith.subi %rev3A_157, %rev3A_158 : vector<16xi32>
        %rev3A_160 = tpu.dynamic_gather %masked_sort3A_132[%rev3A_159] in [0] : vector<16xf32>, vector<16xi32> -> vector<16xf32>
        %max3A_161 = arith.maximumf %scan3A_50, %rev3A_160 : vector<16xf32>
        %rev3A_162 = arith.constant 15 : i32
        %rev3A_163 = vector.broadcast %rev3A_162 : i32 to vector<16xi32>
        %rev3A_164 = tpu.iota {dimensions = array<i32: 0>} : vector<16xi32>
        %rev3A_165 = arith.subi %rev3A_163, %rev3A_164 : vector<16xi32>
        %rev3A_166 = tpu.dynamic_gather %masked_sort3A_128[%rev3A_165] in [0] : vector<16xf32>, vector<16xi32> -> vector<16xf32>
        %max3A_167 = arith.maximumf %scan3A_51, %rev3A_166 : vector<16xf32>
        %min3A_168 = arith.minimumf %max3A_149, %max3A_161 : vector<16xf32>
        %max3A_169 = arith.maximumf %max3A_149, %max3A_161 : vector<16xf32>
        %min3A_170 = arith.minimumf %max3A_155, %max3A_167 : vector<16xf32>
        %max3A_171 = arith.maximumf %max3A_155, %max3A_167 : vector<16xf32>
        %min3A_172 = arith.minimumf %min3A_168, %min3A_170 : vector<16xf32>
        %max3A_173 = arith.maximumf %min3A_168, %min3A_170 : vector<16xf32>
        %min3A_174 = arith.minimumf %max3A_169, %max3A_171 : vector<16xf32>
        %max3A_175 = arith.maximumf %max3A_169, %max3A_171 : vector<16xf32>
        %masked_sort3A_176 = arith.constant dense<true> : vector<16xi1>
        %masked_sort3A_177, %masked_sort3A_178, %masked_sort3A_179 = tpu.sort %min3A_172, %min3A_172 masked %masked_sort3A_176 : (vector<16xf32>, vector<16xf32>, vector<16xi1>) -> (vector<16xi1>, vector<16xf32>, vector<16xf32>)
        %masked_sort3A_180 = arith.constant dense<true> : vector<16xi1>
        %masked_sort3A_181, %masked_sort3A_182, %masked_sort3A_183 = tpu.sort %max3A_173, %max3A_173 masked %masked_sort3A_180 : (vector<16xf32>, vector<16xf32>, vector<16xi1>) -> (vector<16xi1>, vector<16xf32>, vector<16xf32>)
        %masked_sort3A_184 = arith.constant dense<true> : vector<16xi1>
        %masked_sort3A_185, %masked_sort3A_186, %masked_sort3A_187 = tpu.sort %min3A_174, %min3A_174 masked %masked_sort3A_184 : (vector<16xf32>, vector<16xf32>, vector<16xi1>) -> (vector<16xi1>, vector<16xf32>, vector<16xf32>)
        %masked_sort3A_188 = arith.constant dense<true> : vector<16xi1>
        %masked_sort3A_189, %masked_sort3A_190, %masked_sort3A_191 = tpu.sort %max3A_175, %max3A_175 masked %masked_sort3A_188 : (vector<16xf32>, vector<16xf32>, vector<16xi1>) -> (vector<16xi1>, vector<16xf32>, vector<16xf32>)
        scf.yield %masked_sort3A_178, %masked_sort3A_182, %masked_sort3A_186, %masked_sort3A_190 : vector<16xf32>, vector<16xf32>, vector<16xf32>, vector<16xf32>
      }
      %scan3A_18 = arith.constant 128 : i32
      %rev3A = arith.constant 15 : i32
      %rev3A_19 = vector.broadcast %rev3A : i32 to vector<16xi32>
      %rev3A_20 = tpu.iota {dimensions = array<i32: 0>} : vector<16xi32>
      %rev3A_21 = arith.subi %rev3A_19, %rev3A_20 : vector<16xi32>
      %rev3A_22 = tpu.dynamic_gather %scan3A_17#3[%rev3A_21] in [0] : vector<16xf32>, vector<16xi32> -> vector<16xf32>
      %swap3A = arith.constant 0 : index
      %swap3A_23 = tpu.vector_load %arg5[%swap3A] {strides = array<i32>} : memref<64xf32, #tpu.memory_space<vmem>>, vector<16xf32>,
      tpu.vector_store %arg5[%swap3A], %rev3A_22 {strides = array<i32>} : memref<64xf32, #tpu.memory_space<vmem>>, vector<16xf32>,
      %rev3A_24 = arith.constant 15 : i32
      %rev3A_25 = vector.broadcast %rev3A_24 : i32 to vector<16xi32>
      %rev3A_26 = tpu.iota {dimensions = array<i32: 0>} : vector<16xi32>
      %rev3A_27 = arith.subi %rev3A_25, %rev3A_26 : vector<16xi32>
      %rev3A_28 = tpu.dynamic_gather %scan3A_17#2[%rev3A_27] in [0] : vector<16xf32>, vector<16xi32> -> vector<16xf32>
      %swap3A_29 = arith.constant 16 : index
      %swap3A_30 = tpu.vector_load %arg5[%swap3A_29] {strides = array<i32>} : memref<64xf32, #tpu.memory_space<vmem>>, vector<16xf32>,
      tpu.vector_store %arg5[%swap3A_29], %rev3A_28 {strides = array<i32>} : memref<64xf32, #tpu.memory_space<vmem>>, vector<16xf32>,
      %rev3A_31 = arith.constant 15 : i32
      %rev3A_32 = vector.broadcast %rev3A_31 : i32 to vector<16xi32>
      %rev3A_33 = tpu.iota {dimensions = array<i32: 0>} : vector<16xi32>
      %rev3A_34 = arith.subi %rev3A_32, %rev3A_33 : vector<16xi32>
      %rev3A_35 = tpu.dynamic_gather %scan3A_17#1[%rev3A_34] in [0] : vector<16xf32>, vector<16xi32> -> vector<16xf32>
      %swap3A_36 = arith.constant 32 : index
      %swap3A_37 = tpu.vector_load %arg5[%swap3A_36] {strides = array<i32>} : memref<64xf32, #tpu.memory_space<vmem>>, vector<16xf32>,
      tpu.vector_store %arg5[%swap3A_36], %rev3A_35 {strides = array<i32>} : memref<64xf32, #tpu.memory_space<vmem>>, vector<16xf32>,
      %rev3A_38 = arith.constant 15 : i32
      %rev3A_39 = vector.broadcast %rev3A_38 : i32 to vector<16xi32>
      %rev3A_40 = tpu.iota {dimensions = array<i32: 0>} : vector<16xi32>
      %rev3A_41 = arith.subi %rev3A_39, %rev3A_40 : vector<16xi32>
      %rev3A_42 = tpu.dynamic_gather %scan3A_17#0[%rev3A_41] in [0] : vector<16xf32>, vector<16xi32> -> vector<16xf32>
      %swap3A_43 = arith.constant 48 : index
      %swap3A_44 = tpu.vector_load %arg5[%swap3A_43] {strides = array<i32>} : memref<64xf32, #tpu.memory_space<vmem>>, vector<16xf32>,
      tpu.vector_store %arg5[%swap3A_43], %rev3A_42 {strides = array<i32>} : memref<64xf32, #tpu.memory_space<vmem>>, vector<16xf32>,
      %add3A_45 = arith.addi %mul3A_2, %scan3A_10 : i32
      "tpu.region"() ({
        %run_scoped3A = tpu.sem_alloc : memref<!tpu.dma_semaphore, #tpu.memory_space<semaphore_mem>>
        %dma_start3A = arith.constant 0 : i32
        %dma_start3A_47 = tpu.memref_slice %arg3[%add3A_45, %dma_start3A] : memref<128x64xf32, #tpu.memory_space<hbm>> -> memref<1x64xf32, #tpu.memory_space<hbm>>
        %dma_start3A_48 = tpu.memref_squeeze %dma_start3A_47 : memref<1x64xf32, #tpu.memory_space<hbm>> -> memref<64xf32, #tpu.memory_space<hbm>>
        %dma_start3A_49 = arith.constant 0 : i32
        %dma_start3A_50 = tpu.memref_slice %arg3[%add3A_45, %dma_start3A_49] : memref<128x64xf32, #tpu.memory_space<hbm>> -> memref<1x64xf32, #tpu.memory_space<hbm>>
        %dma_start3A_51 = tpu.memref_squeeze %dma_start3A_50 : memref<1x64xf32, #tpu.memory_space<hbm>> -> memref<64xf32, #tpu.memory_space<hbm>>
        tpu.enqueue_dma source(%arg5 : memref<64xf32, #tpu.memory_space<vmem>>) target(%dma_start3A_51 : memref<64xf32, #tpu.memory_space<hbm>>) target_semaphore(%run_scoped3A : memref<!tpu.dma_semaphore, #tpu.memory_space<semaphore_mem>>)
        %dma_wait3A = arith.constant 0 : i32
        %dma_wait3A_52 = tpu.memref_slice %arg3[%add3A_45, %dma_wait3A] : memref<128x64xf32, #tpu.memory_space<hbm>> -> memref<1x64xf32, #tpu.memory_space<hbm>>
        %dma_wait3A_53 = tpu.memref_squeeze %dma_wait3A_52 : memref<1x64xf32, #tpu.memory_space<hbm>> -> memref<64xf32, #tpu.memory_space<hbm>>
        %dma_wait3A_54 = arith.constant 0 : i32
        %dma_wait3A_55 = tpu.memref_slice %arg3[%add3A_45, %dma_wait3A_54] : memref<128x64xf32, #tpu.memory_space<hbm>> -> memref<1x64xf32, #tpu.memory_space<hbm>>
        %dma_wait3A_56 = tpu.memref_squeeze %dma_wait3A_55 : memref<1x64xf32, #tpu.memory_space<hbm>> -> memref<64xf32, #tpu.memory_space<hbm>>
        tpu.wait_dma2 semaphore(%run_scoped3A : memref<!tpu.dma_semaphore, #tpu.memory_space<semaphore_mem>>) src(%arg5 : memref<64xf32, #tpu.memory_space<vmem>>) dst(%dma_wait3A_56 : memref<64xf32, #tpu.memory_space<hbm>>)
        tpu.yield
      }) : () -> ()
      %scan3A_46 = arith.constant 0 : i32
      scf.yield %scan3A_46 : i32
    }
    %scan3A_9 = arith.constant 4 : i32
    return
  }
}

module attributes {stable_mosaic.version = 14 : i64} {
  func.func @_fixup_body(%arg0: memref<1xf32, #tpu.memory_space<smem>>, %arg1: memref<128x64xf32, #tpu.memory_space<vmem>>, %arg2: memref<1024x128xf32, #tpu.memory_space<vmem>>, %arg3: memref<128x1024xf32, #tpu.memory_space<vmem>>, %arg4: memref<128x1024xf32, #tpu.memory_space<vmem>>) attributes {dimension_semantics = [], scalar_prefetch = 0 : i64, scratch_operands = 0 : i64, tpu.core_type = #tpu.core_type<tc>} {
    %get3A = arith.constant 0 : index
    %get3A_0 = memref.load %arg0[%get3A] : memref<1xf32, #tpu.memory_space<smem>>
    %get3A_1 = arith.constant 0 : index
    %get3A_2 = arith.constant 0 : index
    %get3A_3 = vector.load %arg1[%get3A_1, %get3A_2] : memref<128x64xf32, #tpu.memory_space<vmem>>, vector<128x64xf32>
    %gt3A = vector.broadcast %get3A_0 : f32 to vector<128x64xf32>
    %gt3A_4 = arith.cmpf ogt, %get3A_3, %gt3A : vector<128x64xf32>
    %convert_element_type3A = arith.extui %gt3A_4 : vector<128x64xi1> to vector<128x64xi32>
    %convert_element_type3A_5 = arith.sitofp %convert_element_type3A : vector<128x64xi32> to vector<128x64xf32>
    %mul3A = arith.mulf %get3A_3, %convert_element_type3A_5 : vector<128x64xf32>
    %concatenate3A = tpu.concatenate %get3A_3, %mul3A in 1 : vector<128x64xf32>, vector<128x64xf32> -> vector<128x128xf32>
    %get3A_6 = arith.constant 0 : index
    %get3A_7 = arith.constant 0 : index
    %get3A_8 = vector.load %arg3[%get3A_6, %get3A_7] : memref<128x1024xf32, #tpu.memory_space<vmem>>, vector<128x1024xf32>
    %get3A_9 = arith.constant 0 : index
    %get3A_10 = arith.constant 0 : index
    %get3A_11 = vector.load %arg2[%get3A_9, %get3A_10] : memref<1024x128xf32, #tpu.memory_space<vmem>>, vector<1024x128xf32>
    %dot_general3A = arith.constant dense<0.000000e+00> : vector<128x1024xf32>
    %dot_general3A_12 = tpu.matmul %concatenate3A, %get3A_11, %dot_general3A {dimension_numbers = #tpu.dot_dimension_numbers<[1], [1], [0], [0], [0, 0, 1, 0], [], []>, transpose_lhs_hint = false} : vector<128x128xf32>, vector<1024x128xf32>, vector<128x1024xf32> -> vector<128x1024xf32>
    %add3A = arith.addf %get3A_8, %dot_general3A_12 : vector<128x1024xf32>
    %swap3A = arith.constant 0 : index
    %swap3A_13 = arith.constant 0 : index
    %swap3A_14 = vector.load %arg4[%swap3A, %swap3A_13] : memref<128x1024xf32, #tpu.memory_space<vmem>>, vector<128x1024xf32>
    tpu.vector_store %arg4[%swap3A, %swap3A_13], %add3A {strides = array<i32>} : memref<128x1024xf32, #tpu.memory_space<vmem>>, vector<128x1024xf32>,
    return
  }
}

module attributes {stable_mosaic.version = 14 : i64} {
  func.func @_gate_body(%arg0: i32, %arg1: memref<1xf32, #tpu.memory_space<smem>>, %arg2: memref<128x8192xf32, #tpu.memory_space<vmem>>, %arg3: memref<128x16512xf32, #tpu.memory_space<vmem>>, %arg4: memref<1x1x128xf32, #tpu.memory_space<vmem>>, %arg5: memref<128x128xf32, #tpu.memory_space<vmem>>, %arg6: memref<128x128xf32, #tpu.memory_space<vmem>>, %arg7: memref<128x16512xf32, #tpu.memory_space<vmem>>) attributes {dimension_semantics = [#tpu.dimension_semantics<arbitrary>], iteration_bounds = array<i64: 8>, scalar_prefetch = 0 : i64, scratch_operands = 1 : i64, tpu.core_type = #tpu.core_type<tc>, window_params = [{transform_indices = @transform_0, window_bounds = array<i64: 1>}, {pipeline_mode = #tpu.pipeline_mode<synchronous>, transform_indices = @transform_1, window_bounds = array<i64: 128, 8192>}, {transform_indices = @transform_2, window_bounds = array<i64: 128, 16512>}, {transform_indices = @transform_3, window_bounds = array<i64: 1, 1, 128>}, {transform_indices = @transform_4, window_bounds = array<i64: 128, 128>}, {transform_indices = @transform_5, window_bounds = array<i64: 128, 128>}]} {
    %eq3A = arith.constant 0 : i32
    %eq3A_0 = arith.cmpi eq, %arg0, %eq3A : i32
    %convert_element_type3A = arith.extui %eq3A_0 : i1 to i32
    %cond3A = arith.constant 0 : i32
    %cond3A_1 = arith.cmpi ne, %convert_element_type3A, %cond3A : i32
    scf.if %cond3A_1 {
      %get3A_23 = arith.constant 0 : index
      %get3A_24 = memref.load %arg1[%get3A_23] : memref<1xf32, #tpu.memory_space<smem>>
      %get3A_25 = arith.constant 0 : index
      %get3A_26 = arith.constant 0 : index
      %get3A_27 = vector.load %arg2[%get3A_25, %get3A_26] : memref<128x8192xf32, #tpu.memory_space<vmem>>, vector<128x8192xf32>
      %swap3A_28 = arith.constant 0 : index
      %swap3A_29 = arith.constant 0 : index
      %swap3A_30 = vector.load %arg7[%swap3A_28, %swap3A_29] : memref<128x16512xf32, #tpu.memory_space<vmem>>, vector<128x8192xf32>
      tpu.vector_store %arg7[%swap3A_28, %swap3A_29], %get3A_27 {strides = array<i32>} : memref<128x16512xf32, #tpu.memory_space<vmem>>, vector<128x8192xf32>,
      %broadcast_in_dim3A = arith.constant 0.000000e+00 : f32
      %broadcast_in_dim3A_31 = vector.broadcast %broadcast_in_dim3A : f32 to vector<128x64xf32>
      %swap3A_32 = arith.constant 0 : index
      %swap3A_33 = arith.constant 8192 : index
      %swap3A_34 = vector.load %arg7[%swap3A_32, %swap3A_33] : memref<128x16512xf32, #tpu.memory_space<vmem>>, vector<128x64xf32>
      tpu.vector_store %arg7[%swap3A_32, %swap3A_33], %broadcast_in_dim3A_31 {strides = array<i32>} : memref<128x16512xf32, #tpu.memory_space<vmem>>, vector<128x64xf32>,
      %gt3A = vector.broadcast %get3A_24 : f32 to vector<128x8192xf32>
      %gt3A_35 = arith.cmpf ogt, %get3A_27, %gt3A : vector<128x8192xf32>
      %convert_element_type3A_36 = arith.extui %gt3A_35 : vector<128x8192xi1> to vector<128x8192xi32>
      %convert_element_type3A_37 = arith.sitofp %convert_element_type3A_36 : vector<128x8192xi32> to vector<128x8192xf32>
      %mul3A = arith.mulf %get3A_27, %convert_element_type3A_37 : vector<128x8192xf32>
      %swap3A_38 = arith.constant 0 : index
      %swap3A_39 = arith.constant 8256 : index
      %swap3A_40 = vector.load %arg7[%swap3A_38, %swap3A_39] : memref<128x16512xf32, #tpu.memory_space<vmem>>, vector<128x8192xf32>
      tpu.vector_store %arg7[%swap3A_38, %swap3A_39], %mul3A {strides = array<i32>} : memref<128x16512xf32, #tpu.memory_space<vmem>>, vector<128x8192xf32>,
      %broadcast_in_dim3A_41 = arith.constant 0.000000e+00 : f32
      %broadcast_in_dim3A_42 = vector.broadcast %broadcast_in_dim3A_41 : f32 to vector<128x64xf32>
      %swap3A_43 = arith.constant 0 : index
      %swap3A_44 = arith.constant 16448 : index
      %swap3A_45 = vector.load %arg7[%swap3A_43, %swap3A_44] : memref<128x16512xf32, #tpu.memory_space<vmem>>, vector<128x64xf32>
      tpu.vector_store %arg7[%swap3A_43, %swap3A_44], %broadcast_in_dim3A_42 {strides = array<i32>} : memref<128x16512xf32, #tpu.memory_space<vmem>>, vector<128x64xf32>,
    } else {
    }
    %get3A = arith.constant 0 : index
    %get3A_2 = arith.constant 0 : index
    %get3A_3 = vector.load %arg3[%get3A, %get3A_2] : memref<128x16512xf32, #tpu.memory_space<vmem>>, vector<128x16512xf32>
    %slice3A = vector.extract_strided_slice %get3A_3 {offsets = [0, 8192], sizes = [128, 64], strides = [1, 1]} : vector<128x16512xf32> to vector<128x64xf32>
    %swap3A = arith.constant 0 : index
    %swap3A_4 = arith.constant 0 : index
    %swap3A_5 = vector.load %arg6[%swap3A, %swap3A_4] : memref<128x128xf32, #tpu.memory_space<vmem>>, vector<128x64xf32>
    tpu.vector_store %arg6[%swap3A, %swap3A_4], %slice3A {strides = array<i32>} : memref<128x128xf32, #tpu.memory_space<vmem>>, vector<128x64xf32>,
    %slice3A_6 = vector.extract_strided_slice %get3A_3 {offsets = [0, 16448], sizes = [128, 64], strides = [1, 1]} : vector<128x16512xf32> to vector<128x64xf32>
    %swap3A_7 = arith.constant 0 : index
    %swap3A_8 = arith.constant 64 : index
    %swap3A_9 = vector.load %arg6[%swap3A_7, %swap3A_8] : memref<128x128xf32, #tpu.memory_space<vmem>>, vector<128x64xf32>
    tpu.vector_store %arg6[%swap3A_7, %swap3A_8], %slice3A_6 {strides = array<i32>} : memref<128x128xf32, #tpu.memory_space<vmem>>, vector<128x64xf32>,
    %get3A_10 = arith.constant 0 : index
    %get3A_11 = arith.constant 0 : index
    %get3A_12 = vector.load %arg7[%get3A_10, %get3A_11] : memref<128x16512xf32, #tpu.memory_space<vmem>>, vector<128x16512xf32>
    %dot_general3A = arith.constant dense<0.000000e+00> : vector<128x128xf32>
    %dot_general3A_13 = tpu.matmul %get3A_12, %get3A_3, %dot_general3A {dimension_numbers = #tpu.dot_dimension_numbers<[1], [1], [0], [0], [0, 0, 1, 0], [], []>, transpose_lhs_hint = false} : vector<128x16512xf32>, vector<128x16512xf32>, vector<128x128xf32> -> vector<128x128xf32>
    %get3A_14 = arith.constant 0 : index
    %get3A_15 = arith.constant 0 : index
    %get3A_16 = arith.constant 0 : index
    %get3A_17 = vector.load %arg4[%get3A_14, %get3A_15, %get3A_16] : memref<1x1x128xf32, #tpu.memory_space<vmem>>, vector<1x1x128xf32>
    %get3A_18 = vector.shape_cast %get3A_17 : vector<1x1x128xf32> to vector<1x128xf32>
    %add3A = vector.broadcast %get3A_18 : vector<1x128xf32> to vector<128x128xf32>
    %add3A_19 = arith.addf %dot_general3A_13, %add3A : vector<128x128xf32>
    %swap3A_20 = arith.constant 0 : index
    %swap3A_21 = arith.constant 0 : index
    %swap3A_22 = vector.load %arg5[%swap3A_20, %swap3A_21] : memref<128x128xf32, #tpu.memory_space<vmem>>, vector<128x128xf32>
    tpu.vector_store %arg5[%swap3A_20, %swap3A_21], %add3A_19 {strides = array<i32>} : memref<128x128xf32, #tpu.memory_space<vmem>>, vector<128x128xf32>,
    return
  }
  func.func @transform_0(%arg0: i32) -> i32 {
    %c0_i32 = arith.constant 0 : i32
    %c0_i32_0 = arith.constant 0 : i32
    return %c0_i32 : i32
  }
  func.func @transform_1(%arg0: i32) -> (i32, i32) {
    %c0_i32 = arith.constant 0 : i32
    %c0_i32_0 = arith.constant 0 : i32
    %c0_i32_1 = arith.constant 0 : i32
    return %c0_i32, %c0_i32_0 : i32, i32
  }
  func.func @transform_2(%arg0: i32) -> (i32, i32) {
    %c0_i32 = arith.constant 0 : i32
    %c0_i32_0 = arith.constant 0 : i32
    return %arg0, %c0_i32 : i32, i32
  }
  func.func @transform_3(%arg0: i32) -> (i32, i32, i32) {
    %c0_i32 = arith.constant 0 : i32
    %c0_i32_0 = arith.constant 0 : i32
    %c0_i32_1 = arith.constant 0 : i32
    return %arg0, %c0_i32, %c0_i32_0 : i32, i32, i32
  }
  func.func @transform_4(%arg0: i32) -> (i32, i32) {
    %c0_i32 = arith.constant 0 : i32
    %c0_i32_0 = arith.constant 0 : i32
    return %c0_i32, %arg0 : i32, i32
  }
  func.func @transform_5(%arg0: i32) -> (i32, i32) {
    %c0_i32 = arith.constant 0 : i32
    %c0_i32_0 = arith.constant 0 : i32
    return %arg0, %c0_i32 : i32, i32
  }
}

</mosaic_0001>

<sc_bundles>
// kernel: kernel.5.cloned.1.call-start
scs
__scs_entry_jumppad:
0x0: {  	(pc) =	sbr.rel $0x88, $3  }
0x1: {  	(tag) =	ssettag $0x0;
	lr =	simm.s32 $0x1  }
0x2: {  	[smem:$0x3F9D] =	sst lr;
	_ =	strace $0xD0000000  }
0x3: {  	_ = 	snop  }
0x4: {  	_ = 	snop  }
0x5: {  	_ = 	snop  }
0x6: {  	_ = 	snop  }
0x7: {  	_ = 	snop  }
__scs_overlays_trampoline_lowered:
0x8: {  	[smem:$0x3FAC] =	sst s0  }
0x9: {  	[smem:$0x3FAD] =	sst s1  }
0xa: {  	[smem:$0x3FAE] =	sst s2  }
0xb: {  	[smem:$0x3FAF] =	sst s3  }
0xc: {  	[smem:$0x3FB0] =	sst s4  }
0xd: {  	[smem:$0x3FB1] =	sst s5  }
0xe: {  	[smem:$0x3FB2] =	sst s6  }
0xf: {  	[smem:$0x3FB3] =	sst s7  }
0x10: {  	[smem:$0x3FB4] =	sst s8  }
0x11: {  	[smem:$0x3FB5] =	sst s9;
	s0 =	simm.s32 @!p0 $0x0  }
0x12: {  	s1 =	sld [smem:$0x3F9B];
	s0 =	simm.s32 @p0 $0x1  }
0x13: {  	[smem:$0x3FB6] =	sst s0;
	s0 =	simm.s32 @!p1 $0x0  }
0x14: {  	s2 =	sld [smem:$0x3F9A];
	s0 =	simm.s32 @p1 $0x1  }
0x15: {  	[smem:$0x3FB7] =	sst s0;
	s0 =	simm.s32 @!p2 $0x0  }
0x16: {  	s3 =	sld [smem:$0x3FDB];
	s0 =	simm.s32 @p2 $0x1  }
0x17: {  	s4 =	simm.s32 $0x1BF5;
	[smem:$0x3FB9] =	sst s0  }
0x18: {  	s0 =	sld [smem:$0x3F9C];
	_ =	swait.ge [sflag:s4], $0x0  }
0x19: {  	s7 =	sld [smem:$0x3F9D]  }
0x1a: {  	s8 =	sadd.s32 $0xFFFFE003, lr  }
0x1b: {  	s9 =	sadd.s32 $0xFFFFFEF7, lr;
	s5 =	simm.s32 $0xFFFFFFFF;
	p2 =	slt.u32 s8, $0xFFFFF086  }
0x1c: {  	p1 =	slt.u32 s9, $0xF7A;
	s5 =	simm.s32 @!p2 $0x0  }
0x1d: {  	s5 =	simm.s32 @p1 $0x1;
	p0 =	seq.s32 s7, s2  }
0x1e: {  	s7 =	smul.u32 @!p0 $0xF7A, s2;
	p2 =	seq.s32 @!p0 s5, $0x0  }
0x1f: {  	s9 =	smul.u32 $0xF7A, s1;
	s8 =	simm.s32 @!p0 $0x1BF5;
	p2 =	por !p2, p0  }
0x20: {  	[sflag:s8] =	ssyncset.s32 @!p0 $0xFFFFF086;
	s6 =	sadd.s32 @!p0 s3, s7;
	s7 =	simm.s32 @!p0 $0x108  }
0x21: {  	s3 =	sadd.s32 s3, s9;
	s6 =	sadd.s32 @!p0 $0x88, s6;
	s7 =	simm.s32 @p2 $0x1082  }
0x22: {  	[simem:s7], [sflag:s8] =	dma.local @!p0 [hbm:s6], $0xF7A  }
0x23: {  	s9 =	sor.u32 $0xD0000000, s2;
	s6 =	simm.s32 $0x108;
	_ =	swait.ge @!p0 [sflag:s8], $0x0  }
0x24: {  	s3 =	sadd.s32 $0x88, s3;
	s6 =	simm.s32 @!p1 $0x1082;
	[sflag:s4] =	ssyncset.s32 $0xFFFFF086  }
0x25: {  	[simem:s6], [sflag:s4] =	dma.local [hbm:s3], $0xF7A  }
0x26: {  	[smem:$0x3F9D] =	sst s1;
	(tag) =	ssettag s2;
	_ =	strace s9  }
0x27: {  	s1 =	sld [smem:$0x3FAD]  }
0x28: {  	s2 =	sld [smem:$0x3FAE]  }
0x29: {  	s4 =	sld [smem:$0x3FB0]  }
0x2a: {  	p0 =	seq.s32 s5, $0x0;
	s5 =	sld [smem:$0x3FB1]  }
0x2b: {  	s6 =	sld [smem:$0x3FB2]  }
0x2c: {  	s7 =	sld [smem:$0x3FB3]  }
0x2d: {  	s3 =	simm.s32 $0x108;
	s8 =	sld [smem:$0x3FB4]  }
0x2e: {  	s3 =	simm.s32 @!p0 $0x1082;
	s9 =	sld [smem:$0x3FB5]  }
0x2f: {  	lr =	sadd.s32 s0, s3;
	s0 =	sld [smem:$0x3FAC]  }
0x30: {  	s3 =	sld [smem:$0x3FAF]  }
0x31: {  	[smem:$0x3FB8] =	sst s10  }
0x32: {  	s10 =	sld [smem:$0x3FB6];
	_ =	sdelay $0x3  }
0x33: {  	p0 =	seq.s32 s10, $0x1;
	s10 =	sld [smem:$0x3FB8];
	_ =	sdelay $0x3  }
0x34: {  	[smem:$0x3FB8] =	sst s10  }
0x35: {  	s10 =	sld [smem:$0x3FB7];
	_ =	sdelay $0x3  }
0x36: {  	p1 =	seq.s32 s10, $0x1;
	s10 =	sld [smem:$0x3FB8];
	_ =	sdelay $0x3  }
0x37: {  	[smem:$0x3FB8] =	sst s10  }
0x38: {  	s10 =	sld [smem:$0x3FB9]  }
0x39: {  	_ = 	snop;
	(pc) =	sbr.ind lr, $3  }
0x3a: {  	_ = 	snop  }
0x3b: {  	_ = 	snop  }
0x3c: {  	p2 =	seq.s32 s10, $0x1;
	s10 =	sld [smem:$0x3FB8]  }
0x3d: {  	_ =	shalt  }
0x3e: {  	_ =	shalt  }
0x3f: {  	_ =	shalt  }
0x40: {  	_ =	shalt  }
0x41: {  	_ =	shalt  }
0x42: {  	_ =	shalt  }
0x43: {  	_ =	shalt  }
0x44: {  	_ =	shalt  }
0x45: {  	_ =	shalt  }
0x46: {  	_ =	shalt  }
0x47: {  	_ =	shalt  }
0x48: {  	_ =	shalt  }
0x49: {  	_ =	shalt  }
0x4a: {  	_ =	shalt  }
0x4b: {  	_ =	shalt  }
0x4c: {  	_ =	shalt  }
0x4d: {  	_ =	shalt  }
0x4e: {  	_ =	shalt  }
0x4f: {  	_ =	shalt  }
0x50: {  	_ =	shalt  }
0x51: {  	_ =	shalt  }
0x52: {  	_ =	shalt  }
0x53: {  	_ =	shalt  }
0x54: {  	_ =	shalt  }
0x55: {  	_ =	shalt  }
0x56: {  	_ =	shalt  }
0x57: {  	_ =	shalt  }
0x58: {  	_ =	shalt  }
0x59: {  	_ =	shalt  }
0x5a: {  	_ =	shalt  }
0x5b: {  	_ =	shalt  }
0x5c: {  	_ =	shalt  }
0x5d: {  	_ =	shalt  }
0x5e: {  	_ =	shalt  }
0x5f: {  	_ =	shalt  }
0x60: {  	_ =	shalt  }
0x61: {  	_ =	shalt  }
0x62: {  	_ =	shalt  }
0x63: {  	_ =	shalt  }
0x64: {  	_ =	shalt  }
0x65: {  	_ =	shalt  }
0x66: {  	_ =	shalt  }
0x67: {  	_ =	shalt  }
0x68: {  	_ =	shalt  }
0x69: {  	_ =	shalt  }
0x6a: {  	_ =	shalt  }
0x6b: {  	_ =	shalt  }
0x6c: {  	_ =	shalt  }
0x6d: {  	_ =	shalt  }
0x6e: {  	_ =	shalt  }
0x6f: {  	_ =	shalt  }
0x70: {  	_ =	shalt  }
0x71: {  	_ =	shalt  }
0x72: {  	_ =	shalt  }
0x73: {  	_ =	shalt  }
0x74: {  	_ =	shalt  }
0x75: {  	_ =	shalt  }
0x76: {  	_ =	shalt  }
0x77: {  	_ =	shalt  }
0x78: {  	_ =	shalt  }
0x79: {  	_ =	shalt  }
0x7a: {  	_ =	shalt  }
0x7b: {  	_ =	shalt  }
0x7c: {  	_ =	shalt  }
0x7d: {  	_ =	shalt  }
0x7e: {  	_ =	shalt  }
0x7f: {  	_ =	shalt  }
0x80: {  	_ =	shalt  }
0x81: {  	_ =	shalt  }
0x82: {  	_ =	shalt  }
0x83: {  	_ =	shalt  }
0x84: {  	_ =	shalt  }
0x85: {  	_ =	shalt  }
0x86: {  	_ =	shalt  }
0x87: {  	_ =	shalt  }
.Lfunc_end0:
.L_simem_size_0:
called_computation_lowered:
.L_overlay_start_0:
0x88: {  	s2 =	sld [smem:$0x3FD9]  }
0x89: {  	s3 =	sld [smem:$0x3FFE];
	_ =	sdelay $0x1  }
0x8a: {  	s1 =	srdreg.scid  }
0x8b: {  	s0 =	sand.u32 $0x1, s1  }
0x8c: {  	s18 =	sshll.u32 s0, $0xA;
	s2 =	sadd.s32 s3, s2  }
0x8d: {  	s2 =	sadd.s32 s2, s18  }
0x8e: {  	[smem:$0x3FC4] =	sst s2  }
0x8f: {  	_ = 	snop  }
0x90: {  	s2 =	sld [smem:$0x3FC9]  }
0x91: {  	s19 =	sld [smem:$0x3FD0];
	(tm) =	ssettm $0x1  }
0x92: {  	s4 =	sld [smem:$0x3FFB];
	_ =	sdelay $0x3  }
0x93: {  	_ =	strace s4  }
0x94: {  	s4 =	sld [smem:$0x3FFC];
	_ =	sdelay $0x3  }
0x95: {  	_ =	strace s4  }
0x96: {  	s4 =	sld [smem:$0x3FFD];
	_ =	sdelay $0x3  }
0x97: {  	_ =	strace s4  }
0x98: {  	_ =	strace $0x8FFFFFFF  }
0x99: {  	s20 =	sld [smem:$0x3FDB];
	_ =	sdelay $0x1  }
0x9a: {  	s5 =	simm.s32 $_scs_section_size  }
0x9b: {  	s6 =	simm.s32 $_size__tile_overlayer_lowered;
	s7 =	simm.s32 $_tile_overlayer_lowered  }
0x9c: {  	s23 =	simm.s32 $0x1BFF;
	s22 =	sshll.u32 s7, $0x1;
	s4 =	sadd.s32 s5, s20  }
0x9d: {  	s8 =	simm.s32 $0x0;
	s21 =	sshll.u32 s6, $0x1;
	s6 =	sadd.s32 s22, s4  }
0x9e: {  	[timem:s8], [sflag:s23] =	dma.local [hbm:s6], s21  }
0x9f: {  	_ =	swait.ge [sflag:s23], s21  }
0xa0: {  	s5 =	ssub.s32 $0x0, s21;
	[sflag:s23] =	ssyncset.done $0x0  }
0xa1: {  	[sflag:s23] =	ssyncadd.s32 s5;
	_ =	sdelay $0x1  }
0xa2: {  	s24 =	simm.s32 $0x1B8B  }
0xa3: {  	_ =	swait.ge [sflag:s24], $0x1  }
0xa4: {  	[sflag:s24] =	ssyncset.done $0x0  }
0xa5: {  	s25 =	simm.s32 $0x1B8E;
	[sflag:s24] =	ssyncadd.s32 $0xFFFFFFFF  }
0xa6: {  	s26 =	simm.s32 $execute0_lowered;
	[smem:$0x3FD2] =	sst s25  }
0xa7: {  	s5 =	sshll.u32 s26, $0x1;
	_ =	strace $0x80000046;
	[dreg:$0x1] =	wrdreg $0xFFFFFFFF  }
0xa8: {  	s28 =	simm.s32 $_size_execute0_lowered;
	s4 =	sadd.s32 s4, s5;
	[dreg:$0x0] =	wrdreg $0x0  }
0xa9: {  	s5 =	sshll.u32 s28, $0x1;
	[dreg:$0x2] =	wrdreg s4  }
0xaa: {  	[dreg:$0x3] =	wrdreg s5  }
0xab: {  	[dreg:$0x4] =	wrdreg $0xC0  }
0xac: {  	_ =	task [dreg:s8], $0x5FFFF  }
0xad: {  	[dreg:$0x1] =	wrdreg $0xFFFFFFFF  }
0xae: {  	[dreg:$0x0] =	wrdreg $0x60  }
0xaf: {  	[dreg:$0x2] =	wrdreg s2  }
0xb0: {  	[dreg:$0x3] =	wrdreg s19  }
0xb1: {  	[dreg:$0x4] =	wrdreg $0x9  }
0xb2: {  	_ =	task.clear_ibuf [dreg:s8], $0x5FFFF;
	_ =	strace $0x90000046  }
0xb3: {  	s29 =	simm.s32 $0x9;
	_ =	strace $0x80000048  }
0xb4: {  	_ =	swait.ge [sflag:s29], $0x1  }
0xb5: {  	[sflag:s29] =	ssyncadd.s32 $0xFFFFFFFF  }
0xb6: {  	_ =	strace $0x90000048  }
0xb7: {  	_ =	sfence  }
0xb8: {  	s30 =	sld [smem:$0x0];
	_ =	sdelay $0x2  }
0xb9: {  	s31 =	sshll.u32 s1, $0xD;
	s1 =	sshrl.u32 s1, $0x2  }
0xba: {  	s3 =	sand.u32 $0x4000, s31;
	s1 =	sadd.s32 s1, s30  }
0xbb: {  	s0 =	sor.u32 s3, s0;
	s1 =	sshll.u32 s1, $0x11  }
0xbc: {  	s0 =	sor.u32 s1, s0  }
0xbd: {  	s0 =	sadd.s32 $0x8F2B, s0  }
0xbe: {  	[sflag:s0] =	ssyncadd.remote.s32 $0x1  }
0xbf: {  	_ =	sfence.sel $0xFFFF  }
0xc0: {  	[dreg:$0x0] =	wrdreg $0xFFFFFFFF;
	(pc) =	sbr.abs _section_cstart, $3  }
0xc1: {  	[dreg:$0x1] =	wrdreg $0xFFFFFFFF  }
0xc2: {  	_ =	task.clear_ibuf [dreg:s8], $0x2FFFF;
	_ =	strace $0x9FFFFFFF  }
0xc3: {  	(tm) =	ssettm $0x7FFFFFFF  }
tec
execute0_lowered:
.L_overlay_start_1:
0x0: {  	(tag) =	ssettag $0x1  }
0x1: {  	s1 =	rddreg [dreg:$0x0]  }
0x2: {  	s0 =	srdreg.scid;
	s2 =	rddreg [dreg:$0x1]  }
0x3: {  	s3 =	simm.s32 $0x0;
	s4 =	stileid.u32;
	s9 =	simm.s32 $0x80  }
0x4: {  	s10 =	simm.s32 $0x400;
	s11 =	simm.s32 $0x1;
	s5 =	sand.u32 $0x1, s0  }
0x5: {  	v0 =	vlaneseq.u32;
	s12 =	simm.s32 $0x2000;
	s0 =	rddreg [dreg:$0x2];
	s6 =	ssub.s32 $0x2, s5  }
0x6: {  	s13 =	simm.s32 $0x0;
	[smem:$0x7FF] =	sst s3;
	v0 =	vmul.u32 $0xFFFFFFFF, v0;
	s7 =	sshrl.u32 s6, $0x1  }
0x7: {  	_ =	strace $0x80000047;
	s5 =	sshll.u32 s5, $0x9;
	s8 =	ssub.s32 s6, s7  }
0x8: {  	v0 =	vadd.s32 $0xF, v0;
	s6 =	sshll.u32 s4, $0x10;
	s7 =	sshll.u32 s4, $0xA;
	s8 =	smax.u32 s8, $0x1  }
.LBB2_1:
0x9: {  	s14 =	simm.s32 $0x0  }
.LBB2_2:
0xa: {  	s15 =	sshll.u32 s14, $0x7  }
0xb: {  	s15 =	sadd.s32 s5, s15  }
0xc: {  	s16 =	sadd.s32 s6, s15  }
0xd: {  	s16 =	sshrl.u32 s16, $0x3  }
0xe: {  	s17 =	simm.s32 $0x0;
	s16 =	sadd.s32 s1, s16  }
0xf: {  	[tilespmem:s17], [sflag:$0x1] =	stream.strided.gather [hbm4b:s16+s9], $0x2000, s10, s9, $0x38;
	[tilespmem:$0x2080] =	vst v63  }
0x10: {  	_ =	swait.ge [sflag:s11], $0x2000  }
0x11: {  	[sflag:s11] =	ssyncset.done $0x0  }
0x12: {  	s28 =	simm.s32 $0x0;
	[sflag:s11] =	ssyncadd.s32 $0xFFFFE000  }
0x13: {  	v1 =	vld [tilespmem:s28+$0x30]  }
0x14: {  	v2 =	vld [tilespmem:s28+$0x10]  }
0x15: {  	v3 =	vld [tilespmem:s28+$0x20]  }
0x16: {  	v4 =	vld [tilespmem:s28+$0x0];
	_ =	sdelay $0x1  }
0x17: {  	(xrf1) =	vsort.ascd.msk.f32 $0xffff, v1, v1  }
0x18: {  	(xrf1) =	vsort.ascd.msk.f32 $0xffff, v2, v2  }
0x19: {  	(xrf1) =	vsort.ascd.msk.f32 $0xffff, v3, v3  }
0x1a: {  	(xrf1) =	vsort.ascd.msk.f32 $0xffff, v4, v4;
	_ =	sdelay $0x6  }
0x1b: {  	s29 =	simm.s32 $0x40  }
0x1c: {  	v1 =	vld [tilespmem:s29+$0x30]  }
0x1d: {  	v2 =	vld [tilespmem:s29+$0x10];
	_ =	sdelay $0x1  }
0x1e: {  	v3, _, _ =	vpop (xrf1)  }
0x1f: {  	v5 =	vld [tilespmem:s29+$0x20];
	v4, _, _ =	vpop (xrf1);
	v3 =	vperm.xlane v3, v0  }
0x20: {  	v6 =	vld [tilespmem:s29+$0x0];
	(xrf1) =	vsort.ascd.msk.f32 $0xffff, v1, v1;
	v7, _, _ =	vpop (xrf1);
	v4 =	vperm.xlane v4, v0  }
0x21: {  	(xrf1) =	vsort.ascd.msk.f32 $0xffff, v2, v2;
	v1, _, _ =	vpop (xrf1);
	v2 =	vmax.f32 v7, v3  }
0x22: {  	v8 =	vmin.f32 v1, v4;
	(xrf1) =	vsort.ascd.msk.f32 $0xffff, v2, v2  }
0x23: {  	(xrf1) =	vsort.ascd.msk.f32 $0xffff, v8, v8  }
0x24: {  	(xrf1) =	vsort.ascd.msk.f32 $0xffff, v5, v5  }
0x25: {  	v2 =	vmin.f32 v7, v3;
	(xrf1) =	vsort.ascd.msk.f32 $0xffff, v6, v6  }
0x26: {  	(xrf1) =	vsort.ascd.msk.f32 $0xffff, v2, v2  }
0x27: {  	v1 =	vmax.f32 v1, v4  }
0x28: {  	(xrf1) =	vsort.ascd.msk.f32 $0xffff, v1, v1;
	_ =	sdelay $0x3  }
0x29: {  	s30 =	simm.s32 $0x80  }
0x2a: {  	v2 =	vld [tilespmem:s30+$0x30]  }
0x2b: {  	v5 =	vld [tilespmem:s30+$0x10];
	v1, _, _ =	vpop (xrf1)  }
0x2c: {  	v3, _, _ =	vpop (xrf1)  }
0x2d: {  	v4, _, _ =	vpop (xrf1)  }
0x2e: {  	v1 =	vperm.xlane v1, v0;
	v6, _, _ =	vpop (xrf1)  }
0x2f: {  	(xrf1) =	vsort.ascd.msk.f32 $0xffff, v2, v2;
	v7, _, _ =	vpop (xrf1)  }
0x30: {  	v8 =	vld [tilespmem:s30+$0x20];
	(xrf1) =	vsort.ascd.msk.f32 $0xffff, v5, v5;
	v9, _, _ =	vpop (xrf1);
	v5 =	vmax.f32 v7, v1  }
0x31: {  	v3 =	vperm.xlane v3, v0;
	v2, _, _ =	vpop (xrf1)  }
0x32: {  	v10 =	vld [tilespmem:s30+$0x0];
	v4 =	vperm.xlane v4, v0;
	v2 =	vperm.xlane v2, v0  }
0x33: {  	v11 =	vmin.f32 v9, v3;
	(xrf1) =	vsort.ascd.msk.f32 $0xffff, v5, v5;
	v5, _, _ =	vpop (xrf1)  }
0x34: {  	v12 =	vmax.f32 v6, v4;
	(xrf1) =	vsort.ascd.msk.f32 $0xffff, v11, v11;
	v58 =	vmax.f32 v5, v2  }
0x35: {  	(xrf1) =	vsort.ascd.msk.f32 $0xffff, v8, v8;
	v8 =	vmin.f32 v12, v58  }
0x36: {  	(xrf1) =	vsort.ascd.msk.f32 $0xffff, v8, v8  }
0x37: {  	v1 =	vmin.f32 v7, v1;
	(xrf1) =	vsort.ascd.msk.f32 $0xffff, v10, v10  }
0x38: {  	v7 =	vmax.f32 v12, v58;
	(xrf1) =	vsort.ascd.msk.f32 $0xffff, v1, v1  }
0x39: {  	v1 =	vmax.f32 v9, v3;
	(xrf1) =	vsort.ascd.msk.f32 $0xffff, v7, v7  }
0x3a: {  	(xrf1) =	vsort.ascd.msk.f32 $0xffff, v1, v1;
	_ =	sdelay $0x1  }
0x3b: {  	v2 =	vmin.f32 v5, v2;
	v1 =	vmin.f32 v6, v4  }
0x3c: {  	v3 =	vmin.f32 v1, v2  }
0x3d: {  	s31 =	simm.s32 $0xC0;
	v1 =	vmax.f32 v1, v2;
	(xrf1) =	vsort.ascd.msk.f32 $0xffff, v3, v3  }
0x3e: {  	v2, _, _ =	vpop (xrf1);
	(xrf1) =	vsort.ascd.msk.f32 $0xffff, v1, v1;
	v1 =	vld [tilespmem:s31+$0x30]  }
0x3f: {  	v5 =	vld [tilespmem:s31+$0x10];
	v3, _, _ =	vpop (xrf1)  }
0x40: {  	v4, _, _ =	vpop (xrf1)  }
0x41: {  	v6, _, _ =	vpop (xrf1)  }
0x42: {  	v2 =	vperm.xlane v2, v0;
	v7, _, _ =	vpop (xrf1)  }
0x43: {  	(xrf1) =	vsort.ascd.msk.f32 $0xffff, v1, v1;
	v8, _, _ =	vpop (xrf1)  }
0x44: {  	v59 =	vld [tilespmem:s31+$0x20];
	(xrf1) =	vsort.ascd.msk.f32 $0xffff, v5, v5;
	v5 =	vmax.f32 v7, v2;
	v1, _, _ =	vpop (xrf1)  }
0x45: {  	v3 =	vperm.xlane v3, v0;
	v4 =	vperm.xlane v4, v0;
	v60, _, _ =	vpop (xrf1)  }
0x46: {  	v61 =	vld [tilespmem:s31+$0x0];
	v10 =	vperm.xlane v60, v0;
	v62, _, _ =	vpop (xrf1)  }
0x47: {  	v13 =	vmin.f32 v6, v4;
	(xrf1) =	vsort.ascd.msk.f32 $0xffff, v5, v5;
	v14 =	vmin.f32 v1, v3;
	v5, _, _ =	vpop (xrf1)  }
0x48: {  	v4 =	vmax.f32 v6, v4;
	(xrf1) =	vsort.ascd.msk.f32 $0xffff, v14, v14;
	v6 =	vmax.f32 v5, v10  }
0x49: {  	v1 =	vmax.f32 v1, v3;
	(xrf1) =	vsort.ascd.msk.f32 $0xffff, v59, v59;
	v3 =	vmin.f32 v4, v6  }
0x4a: {  	(xrf1) =	vsort.ascd.msk.f32 $0xffff, v3, v3  }
0x4b: {  	v2 =	vmin.f32 v7, v2;
	(xrf1) =	vsort.ascd.msk.f32 $0xffff, v61, v61  }
0x4c: {  	v5 =	vmin.f32 v5, v10;
	v63, _, _ =	vpop (xrf1);
	v4 =	vmax.f32 v4, v6;
	(xrf1) =	vsort.ascd.msk.f32 $0xffff, v2, v2  }
0x4d: {  	v6 =	vperm.xlane v8, v0;
	v3 =	vperm.xlane v62, v0;
	v8, _, _ =	vpop (xrf1);
	(xrf1) =	vsort.ascd.msk.f32 $0xffff, v4, v4  }
0x4e: {  	v2 =	vimm.f32 $-3.402823470e+38;
	v4 =	vperm.xlane v63, v0;
	(xrf1) =	vsort.ascd.msk.f32 $0xffff, v1, v1;
	v1 =	vperm.xlane v8, v0  }
0x4f: {  	v7 =	vmin.f32 v13, v5;
	v5 =	vmax.f32 v13, v5;
	v6 =	vmax.f32 v2, v6  }
0x50: {  	v3 =	vmax.f32 v2, v3;
	v4 =	vmax.f32 v2, v4;
	v1 =	vmax.f32 v2, v1  }
0x51: {  	(xrf1) =	vsort.ascd.msk.f32 $0xffff, v7, v7;
	v7 =	vmin.f32 v6, v4;
	v2 =	vmax.f32 v6, v4  }
0x52: {  	(xrf1) =	vsort.ascd.msk.f32 $0xffff, v5, v5;
	v6 =	vmin.f32 v3, v1;
	v4 =	vmax.f32 v3, v1  }
0x53: {  	s16 =	simm.s32 $0x400;
	s17 =	simm.s32 $0x500;
	v5 =	vmin.f32 v6, v7;
	v6 =	vmax.f32 v6, v7;
	v3 =	vmax.f32 v4, v2;
	v1, _, _ =	vpop (xrf1)  }
.LBB2_3:
0x54: {  	p0 =	sne.s32 s17, $0x7F00  }
0x55: {  	s18 =	sshra.s32 s16, $0x2;
	v2 =	vmin.f32 v4, v2;
	(xrf1) =	vsort.ascd.msk.f32 $0xffff, v6, v6;
	s16 =	smov.u32 s17;
	s17 =	sadd.s32 $0x100, s17  }
0x56: {  	v4 =	vld [tilespmem:s18+$0x30];
	v6, _, _ =	vpop (xrf1);
	(xrf1) =	vsort.ascd.msk.f32 $0xffff, v5, v5  }
0x57: {  	v5 =	vld [tilespmem:s18+$0x20];
	v7, _, _ =	vpop (xrf1);
	(xrf1) =	vsort.ascd.msk.f32 $0xffff, v3, v3  }
0x58: {  	v3 =	vld [tilespmem:s18+$0x10];
	v7 =	vperm.xlane v7, v0;
	v8, _, _ =	vpop (xrf1);
	(xrf1) =	vsort.ascd.msk.f32 $0xffff, v2, v2  }
0x59: {  	v2 =	vld [tilespmem:s18+$0x0];
	v9, _, _ =	vpop (xrf1)  }
0x5a: {  	v1 =	vperm.xlane v1, v0;
	v6 =	vperm.xlane v6, v0;
	v10 =	vmin.f32 v8, v7;
	v11, _, _ =	vpop (xrf1)  }
0x5b: {  	v7 =	vmax.f32 v8, v7;
	(xrf1) =	vsort.ascd.msk.f32 $0xffff, v4, v4;
	v4, _, _ =	vpop (xrf1)  }
0x5c: {  	v8 =	vmin.f32 v4, v6;
	v4 =	vmax.f32 v4, v6;
	v6 =	vmin.f32 v9, v1;
	v12, _, _ =	vpop (xrf1)  }
0x5d: {  	v13 =	vmax.f32 v9, v1;
	(xrf1) =	vsort.ascd.msk.f32 $0xffff, v3, v3;
	v12 =	vperm.xlane v12, v0;
	v9, _, _ =	vpop (xrf1)  }
0x5e: {  	(xrf1) =	vsort.ascd.msk.f32 $0xffff, v13, v13;
	v1, _, _ =	vpop (xrf1);
	v9 =	vperm.xlane v9, v0  }
0x5f: {  	(xrf1) =	vsort.ascd.msk.f32 $0xffff, v8, v8;
	v8 =	vmin.f32 v1, v12;
	v1 =	vmax.f32 v1, v12;
	v3, _, _ =	vpop (xrf1)  }
0x60: {  	(xrf1) =	vsort.ascd.msk.f32 $0xffff, v5, v5;
	v5 =	vmin.f32 v10, v8;
	v12 =	vmin.f32 v7, v1  }
0x61: {  	v8 =	vmax.f32 v10, v8;
	v1 =	vmax.f32 v7, v1;
	(xrf1) =	vsort.ascd.msk.f32 $0xffff, v12, v12;
	v7, _, _ =	vpop (xrf1)  }
0x62: {  	(xrf1) =	vsort.ascd.msk.f32 $0xffff, v2, v2;
	v2 =	vperm.xlane v11, v0  }
0x63: {  	(xrf1) =	vsort.ascd.msk.f32 $0xffff, v6, v6;
	v6, _, _ =	vpop (xrf1)  }
0x64: {  	(xrf1) =	vsort.ascd.msk.f32 $0xffff, v1, v1;
	v1 =	vmax.f32 v6, v2;
	v2 =	vperm.xlane v3, v0;
	v3, _, _ =	vpop (xrf1)  }
.Ltmp0:
0x65: {  	(xrf1) =	vsort.ascd.msk.f32 $0xffff, v4, v4;
	v4 =	vperm.xlane v7, v0;
	v6, _, _ =	vpop (xrf1);
	(pc) =	sbr.rel @p0 .LBB2_3-.Ltmp0, $4  }
0x66: {  	v3 =	vmax.f32 v3, v9;
	(xrf1) =	vsort.ascd.msk.f32 $0xffff, v5, v5;
	v2 =	vmax.f32 v6, v2;
	v5, _, _ =	vpop (xrf1)  }
0x67: {  	v4 =	vmax.f32 v5, v4;
	v6 =	vmin.f32 v1, v2;
	v2 =	vmax.f32 v1, v2  }
0x68: {  	(xrf1) =	vsort.ascd.msk.f32 $0xffff, v8, v8;
	v7 =	vmin.f32 v3, v4;
	v4 =	vmax.f32 v3, v4  }
0x69: {  	v1, _, _ =	vpop (xrf1);
	v5 =	vmin.f32 v7, v6;
	v6 =	vmax.f32 v7, v6;
	v3 =	vmax.f32 v4, v2  }
0x6a: {  	(xrf1) =	vsort.ascd.msk.f32 $0xffff, v6, v6  }
0x6b: {  	s16 =	sshra.s32 s16, $0x2;
	(xrf1) =	vsort.ascd.msk.f32 $0xffff, v5, v5  }
0x6c: {  	v2 =	vmin.f32 v4, v2;
	v54, _, _ =	vpop (xrf1);
	(xrf1) =	vsort.ascd.msk.f32 $0xffff, v3, v3;
	v3 =	vld [tilespmem:s16+$0x30]  }
0x6d: {  	(xrf1) =	vsort.ascd.msk.f32 $0xffff, v2, v2;
	v2 =	vld [tilespmem:s16+$0x10]  }
0x6e: {  	v55, _, _ =	vpop (xrf1)  }
0x6f: {  	v56, _, _ =	vpop (xrf1)  }
0x70: {  	v1 =	vperm.xlane v1, v0;
	v7, _, _ =	vpop (xrf1)  }
0x71: {  	v8, _, _ =	vpop (xrf1);
	(xrf1) =	vsort.ascd.msk.f32 $0xffff, v3, v3  }
0x72: {  	v9 =	vld [tilespmem:s16+$0x20];
	v5 =	vperm.xlane v55, v0;
	v10, _, _ =	vpop (xrf1);
	(xrf1) =	vsort.ascd.msk.f32 $0xffff, v2, v2;
	v2 =	vmax.f32 v7, v1  }
0x73: {  	v4 =	vperm.xlane v54, v0;
	v3, _, _ =	vpop (xrf1)  }
0x74: {  	v11 =	vld [tilespmem:s16+$0x0];
	v13 =	vmin.f32 v56, v5;
	v5 =	vmax.f32 v56, v5;
	v3 =	vperm.xlane v3, v0;
	v12, _, _ =	vpop (xrf1)  }
0x75: {  	v63 =	vperm.xlane v8, v0;
	v14 =	vmin.f32 v10, v4;
	(xrf1) =	vsort.ascd.msk.f32 $0xffff, v2, v2;
	v2, _, _ =	vpop (xrf1)  }
0x76: {  	v4 =	vmax.f32 v10, v4;
	(xrf1) =	vsort.ascd.msk.f32 $0xffff, v14, v14;
	v57 =	vmax.f32 v2, v3  }
0x77: {  	v1 =	vmin.f32 v7, v1;
	v58, _, _ =	vpop (xrf1);
	(xrf1) =	vsort.ascd.msk.f32 $0xffff, v9, v9;
	v59 =	vmin.f32 v5, v57  }
0x78: {  	v60 =	vperm.xlane v12, v0;
	v2 =	vmin.f32 v2, v3;
	v3, _, _ =	vpop (xrf1);
	(xrf1) =	vsort.ascd.msk.f32 $0xffff, v59, v59  }
0x79: {  	v61 =	vmin.f32 v13, v2;
	v5 =	vmax.f32 v5, v57;
	v62, _, _ =	vpop (xrf1);
	(xrf1) =	vsort.ascd.msk.f32 $0xffff, v11, v11  }
0x7a: {  	v12 =	vperm.xlane v58, v0;
	v2 =	vmax.f32 v13, v2;
	(xrf1) =	vsort.ascd.msk.f32 $0xffff, v1, v1;
	v1, _, _ =	vpop (xrf1)  }
0x7b: {  	v3 =	vperm.xlane v3, v0;
	v6 =	vmax.f32 v62, v63;
	(xrf1) =	vsort.ascd.msk.f32 $0xffff, v5, v5;
	v14, _, _ =	vpop (xrf1)  }
0x7c: {  	v1 =	vmax.f32 v1, v60;
	(xrf1) =	vsort.ascd.msk.f32 $0xffff, v4, v4;
	v15, _, _ =	vpop (xrf1);
	v5 =	vmax.f32 v14, v12  }
0x7d: {  	v3 =	vmax.f32 v15, v3;
	(xrf1) =	vsort.ascd.msk.f32 $0xffff, v61, v61;
	v16 =	vmin.f32 v6, v5  }
0x7e: {  	v5 =	vmax.f32 v6, v5;
	v7 =	vmin.f32 v1, v3;
	(xrf1) =	vsort.ascd.msk.f32 $0xffff, v2, v2  }
0x7f: {  	v1 =	vmax.f32 v1, v3;
	v2 =	vmax.f32 v7, v16;
	v3 =	vmin.f32 v7, v16  }
0x80: {  	(xrf1) =	vsort.ascd.msk.f32 $0xffff, v2, v2;
	v2 =	vmax.f32 v1, v5  }
0x81: {  	v1 =	vmin.f32 v1, v5;
	(xrf1) =	vsort.ascd.msk.f32 $0xffff, v3, v3  }
0x82: {  	v3, _, _ =	vpop (xrf1);
	(xrf1) =	vsort.ascd.msk.f32 $0xffff, v2, v2  }
0x83: {  	v2, _, _ =	vpop (xrf1);
	(xrf1) =	vsort.ascd.msk.f32 $0xffff, v1, v1  }
0x84: {  	v1, _, _ =	vpop (xrf1)  }
0x85: {  	v17, _, _ =	vpop (xrf1)  }
0x86: {  	v18, _, _ =	vpop (xrf1)  }
0x87: {  	v19, _, _ =	vpop (xrf1)  }
0x88: {  	v1 =	vperm.xlane v1, v0;
	v20, _, _ =	vpop (xrf1)  }
0x89: {  	v3 =	vperm.xlane v3, v0;
	v2 =	vperm.xlane v2, v0;
	v21, _, _ =	vpop (xrf1)  }
0x8a: {  	v22 =	vmin.f32 v17, v1;
	v1 =	vmax.f32 v17, v1;
	v23 =	vperm.xlane v21, v0;
	v24, _, _ =	vpop (xrf1)  }
0x8b: {  	v26 =	vmax.f32 v18, v3;
	v3 =	vmin.f32 v18, v3;
	v34 =	vperm.xlane v19, v0;
	v27, _, _ =	vpop (xrf1)  }
0x8c: {  	v25 =	vmin.f32 v20, v2;
	(xrf1) =	vsort.ascd.msk.f32 $0xffff, v26, v26;
	v28 =	vmax.f32 v27, v23;
	v29, _, _ =	vpop (xrf1)  }
0x8d: {  	v2 =	vmax.f32 v20, v2;
	(xrf1) =	vsort.ascd.msk.f32 $0xffff, v25, v25;
	v30 =	vmin.f32 v1, v28;
	v31, _, _ =	vpop (xrf1)  }
0x8e: {  	v8 =	vperm.xlane v24, v0;
	v4 =	vmin.f32 v27, v23;
	(xrf1) =	vsort.ascd.msk.f32 $0xffff, v30, v30;
	v33, _, _ =	vpop (xrf1)  }
0x8f: {  	v32 =	vmin.f32 v22, v4;
	v1 =	vmax.f32 v1, v28;
	(xrf1) =	vsort.ascd.msk.f32 $0xffff, v3, v3;
	v3, _, _ =	vpop (xrf1)  }
0x90: {  	v35 =	vperm.xlane v31, v0;
	(xrf1) =	vsort.ascd.msk.f32 $0xffff, v1, v1;
	v1 =	vperm.xlane v29, v0;
	v36, _, _ =	vpop (xrf1)  }
0x91: {  	v4 =	vmax.f32 v22, v4;
	v5 =	vmax.f32 v33, v34;
	(xrf1) =	vsort.ascd.msk.f32 $0xffff, v2, v2;
	v2, _, _ =	vpop (xrf1)  }
0x92: {  	v3 =	vmax.f32 v3, v8;
	v1 =	vmax.f32 v36, v1;
	v2 =	vmax.f32 v2, v35  }
0x93: {  	(xrf1) =	vsort.ascd.msk.f32 $0xffff, v32, v32;
	v37 =	vmin.f32 v5, v1;
	v38 =	vmin.f32 v3, v2  }
0x94: {  	v1 =	vmax.f32 v5, v1;
	(xrf1) =	vsort.ascd.msk.f32 $0xffff, v4, v4;
	v39 =	vmax.f32 v38, v37  }
0x95: {  	v2 =	vmax.f32 v3, v2;
	v3 =	vmin.f32 v38, v37;
	(xrf1) =	vsort.ascd.msk.f32 $0xffff, v39, v39  }
0x96: {  	v40 =	vmax.f32 v2, v1;
	(xrf1) =	vsort.ascd.msk.f32 $0xffff, v3, v3  }
0x97: {  	v1 =	vmin.f32 v2, v1;
	(xrf1) =	vsort.ascd.msk.f32 $0xffff, v40, v40  }
0x98: {  	(xrf1) =	vsort.ascd.msk.f32 $0xffff, v1, v1;
	_ =	sdelay $0x2  }
0x99: {  	v1, _, _ =	vpop (xrf1)  }
0x9a: {  	v2, _, _ =	vpop (xrf1)  }
0x9b: {  	v3, _, _ =	vpop (xrf1)  }
0x9c: {  	v41, _, _ =	vpop (xrf1)  }
0x9d: {  	v42, _, _ =	vpop (xrf1)  }
0x9e: {  	v1 =	vperm.xlane v1, v0;
	v43, _, _ =	vpop (xrf1)  }
0x9f: {  	v4 =	vperm.xlane v41, v0;
	v44, _, _ =	vpop (xrf1)  }
0xa0: {  	v45 =	vmin.f32 v2, v1;
	v1 =	vmax.f32 v2, v1;
	v3 =	vperm.xlane v3, v0;
	v46, _, _ =	vpop (xrf1)  }
0xa1: {  	v5 =	vperm.xlane v42, v0;
	v2 =	vmin.f32 v43, v4;
	v4 =	vmax.f32 v43, v4;
	v48, _, _ =	vpop (xrf1)  }
0xa2: {  	v47 =	vmin.f32 v45, v2;
	v49 =	vmin.f32 v1, v4;
	v1 =	vmax.f32 v1, v4;
	v50, _, _ =	vpop (xrf1)  }
0xa3: {  	v7 =	vperm.xlane v44, v0;
	(xrf1) =	vsort.ascd.msk.f32 $0xffff, v49, v49;
	v9 =	vperm.xlane v46, v0;
	v51, _, _ =	vpop (xrf1)  }
0xa4: {  	v2 =	vmax.f32 v45, v2;
	(xrf1) =	vsort.ascd.msk.f32 $0xffff, v1, v1;
	v1 =	vmax.f32 v48, v3;
	v3, _, _ =	vpop (xrf1)  }
0xa5: {  	v4 =	vmax.f32 v50, v5;
	v52 =	vmax.f32 v51, v7;
	v3 =	vmax.f32 v3, v9  }
0xa6: {  	(xrf1) =	vsort.ascd.msk.f32 $0xffff, v47, v47;
	v53 =	vmin.f32 v1, v52;
	v54 =	vmin.f32 v4, v3  }
0xa7: {  	(xrf1) =	vsort.ascd.msk.f32 $0xffff, v2, v2;
	v1 =	vmax.f32 v1, v52;
	v2 =	vmax.f32 v54, v53  }
0xa8: {  	v3 =	vmax.f32 v4, v3;
	v55 =	vmin.f32 v54, v53;
	(xrf1) =	vsort.ascd.msk.f32 $0xffff, v2, v2  }
0xa9: {  	v2 =	vmax.f32 v3, v1;
	(xrf1) =	vsort.ascd.msk.f32 $0xffff, v55, v55  }
0xaa: {  	v1 =	vmin.f32 v3, v1;
	(xrf1) =	vsort.ascd.msk.f32 $0xffff, v2, v2  }
0xab: {  	(xrf1) =	vsort.ascd.msk.f32 $0xffff, v1, v1;
	_ =	sdelay $0x6  }
0xac: {  	v1, _, _ =	vpop (xrf1)  }
0xad: {  	v2, _, _ =	vpop (xrf1)  }
0xae: {  	v3, _, _ =	vpop (xrf1)  }
0xaf: {  	v56, _, _ =	vpop (xrf1)  }
0xb0: {  	v57, _, _ =	vpop (xrf1)  }
0xb1: {  	v1 =	vperm.xlane v1, v0;
	v2 =	vperm.xlane v2, v0;
	v58, _, _ =	vpop (xrf1)  }
0xb2: {  	v3 =	vperm.xlane v3, v0;
	v4 =	vperm.xlane v56, v0;
	v59, _, _ =	vpop (xrf1)  }
0xb3: {  	v1 =	vmax.f32 v57, v1;
	v60, _, _ =	vpop (xrf1)  }
0xb4: {  	v2 =	vmax.f32 v58, v2;
	v3 =	vmax.f32 v59, v3;
	v4 =	vmax.f32 v60, v4  }
0xb5: {  	v61 =	vmin.f32 v1, v3;
	v6 =	vmin.f32 v2, v4  }
0xb6: {  	v1 =	vmax.f32 v1, v3;
	v3 =	vmax.f32 v6, v61  }
0xb7: {  	v2 =	vmax.f32 v2, v4;
	v62 =	vmin.f32 v6, v61;
	(xrf1) =	vsort.ascd.msk.f32 $0xffff, v3, v3  }
0xb8: {  	v3 =	vmax.f32 v2, v1;
	(xrf1) =	vsort.ascd.msk.f32 $0xffff, v62, v62  }
0xb9: {  	v1 =	vmin.f32 v2, v1;
	(xrf1) =	vsort.ascd.msk.f32 $0xffff, v3, v3  }
0xba: {  	(xrf1) =	vsort.ascd.msk.f32 $0xffff, v1, v1;
	_ =	sdelay $0xa  }
0xbb: {  	v1, _, _ =	vpop (xrf1)  }
0xbc: {  	v2, _, _ =	vpop (xrf1);
	v1 =	vperm.xlane v1, v0  }
0xbd: {  	v3, _, _ =	vpop (xrf1);
	v2 =	vperm.xlane v2, v0  }
0xbe: {  	v63, _, _ =	vpop (xrf1);
	v3 =	vperm.xlane v3, v0;
	[tilespmem:$0x2020] =	vst v1  }
0xbf: {  	s15 =	sadd.s32 s7, s15;
	s14 =	sadd.s32 $0x1, s14;
	v4 =	vperm.xlane v63, v0;
	[tilespmem:$0x2030] =	vst v2  }
0xc0: {  	s15 =	sshrl.u32 s15, $0x3;
	p0 =	sne.s32 s14, $0x4;
	[tilespmem:$0x2000] =	vst v3  }
.Ltmp1:
0xc1: {  	s15 =	sadd.s32 s2, s15;
	[tilespmem:$0x2010] =	vst v4;
	(pc) =	sbr.rel @p0 .LBB2_2-.Ltmp1, $4  }
0xc2: {  	[hbm4b:s15+s3] =	stream.linear.scatter [tilespmem:s12], [sflag:$0x1], $0x80, $0x38;
	[tilespmem:$0x2080] =	vst v63  }
0xc3: {  	_ =	swait.ge [sflag:s11], $0x80  }
0xc4: {  	[sflag:s11] =	ssyncset.done $0x0  }
0xc5: {  	[sflag:s11] =	ssyncadd.s32 $0xFFFFFF80  }
0xc6: {  	s13 =	sadd.s32 $0x1, s13  }
0xc7: {  	p0 =	sne.s32 s13, s8  }
.Ltmp2:
0xc8: {  	_ = 	snop;
	(pc) =	sbr.rel @p0 .LBB2_1-.Ltmp2, $1  }
0xc9: {  	_ =	sdelay $0x3  }
0xca: {  	_ =	sfence.sel $0x180000  }
0xcb: {  	[bflag:$0x0] =	sbarrier.arrive $0xFFFF  }
0xcc: {  	p0 =	sne.s32 s4, $0x0;
	_ =	strace $0x90000047  }
0xcd: {  	s0 =	sadd.s32 @!p0 $0x100000, s0;
	[bflag:$0x2] =	sbarrier.arrive $0xFFFF  }
0xce: {  	[sflag:s0] =	ssyncadd.tile.s32 @!p0 $0x1;
	_ =	shalt  }
.Lfunc_end2:
_tile_overlayer_lowered:
.L_overlay_start_2:
0xcf: {  	(tag) =	ssettag $0x2  }
0xd0: {  	s0 =	rddreg [dreg:$0x0];
	s2 =	stileid.u32  }
0xd1: {  	s1 =	rddreg [dreg:$0x1];
	p0 =	sne.s32 s2, $0x0  }
0xd2: {  	s3 =	rddreg [dreg:$0x2];
	[bflag:$0x3] =	sbarrier.arrive $0xFFFF;
	s2 =	simm.s32 @!p0 $0x1C01  }
0xd3: {  	[timem:s3], [sflag:s2] =	dma.local @!p0 [hbm:s0], s1  }
0xd4: {  	s0 =	simm.s32 @!p0 $0x1  }
0xd5: {  	_ =	swait.ge @!p0 [sflag:s0], s1  }
0xd6: {  	s1 =	ssub.s32 @!p0 $0x0, s1;
	[sflag:s0] =	ssyncset.done @!p0 $0x0  }
0xd7: {  	[sflag:s0] =	ssyncadd.s32 @!p0 s1  }
0xd8: {  	[bflag:$0x3] =	sbarrier.arrive $0xFFFF  }
0xd9: {  	_ =	shalt  }

</sc_bundles>
